<compile_context>
chip_gen: v7x
topology: tpu7x:2x2x1
jax: 0.10.2.dev20260603
libtpu: 0.0.44.dev20260713+nightly
codegen_flags: <defaults>
</compile_context>

<pallas_src>
import functools
import math

import jax
import jax.numpy as jnp
from jax import lax
from jax.experimental import pallas as pl
from jax.experimental.pallas import tpu as pltpu
from jax.experimental.pallas import tpu_sc as plsc

D = 64
NC, NS = 2, 16
NW = NC * NS
CH = 128
SCALE = math.sqrt(D)


@functools.partial(jax.jit, static_argnums=(2,))
def _emb_lookup(idx2d, lut, n_ch_w):
    n_total = idx2d.shape[0] * CH
    mesh = plsc.VectorSubcoreMesh(
        core_axis_name="c", subcore_axis_name="s", num_cores=NC, num_subcores=NS
    )

    @functools.partial(
        pl.kernel,
        out_type=jax.ShapeDtypeStruct((n_total, D), jnp.float32),
        mesh=mesh,
        scratch_types=[
            pltpu.VMEM((n_ch_w, CH), jnp.int32),
            pltpu.VMEM((CH, D), jnp.float32),
            pltpu.SemaphoreType.DMA,
        ],
        compiler_params=pltpu.CompilerParams(use_tc_tiling_on_sc=False),
    )
    def k(idx_hbm, table_hbm, out_hbm, idx_v, rows_v, sem):
        wid = lax.axis_index("s") * NC + lax.axis_index("c")
        chunk0 = wid * n_ch_w
        pltpu.sync_copy(idx_hbm.at[pl.ds(chunk0, n_ch_w)], idx_v)

        def chunk_body(j, _):
            pltpu.async_copy(table_hbm.at[idx_v.at[j]], rows_v, sem).wait()

            @plsc.parallel_loop(0, CH, unroll=4)
            def _(r):
                for c in range(D // 16):
                    sl = pl.ds(c * 16, 16)
                    rows_v[r, sl] = rows_v[r, sl] * SCALE

            base = (chunk0 + j) * CH
            pltpu.sync_copy(rows_v, out_hbm.at[pl.ds(base, CH)])
            return 0

        lax.fori_loop(0, n_ch_w, chunk_body, 0)

    return k(idx2d, lut)


def kernel(x, lut):
    B = x.size
    assert B % (NW * CH) == 0
    n_ch_w = B // (NW * CH)
    idx2d = x.reshape(B // CH, CH).astype(jnp.int32)
    out = _emb_lookup(idx2d, lut, n_ch_w)
    return out.reshape(*x.shape, D)

# --- scband reference (transcript-rebuilt; emitter-appended) ---
"""Pipeline reference for scband-embeddings-80333068304666 (READ-ONLY COPY).

The authoritative reference and input builder live on the scoring server;
editing this copy changes nothing except your own understanding.
"""

import jax, jax.numpy as jnp
import numpy as np
import math

D_MODEL = 64
VOCAB = 1000000

def setup_inputs(seed: int = 0) -> dict:
    key = jax.random.key(seed)
    k1, k2 = jax.random.split(key)
    x = jax.random.randint(k1, (4096, 200), 0, VOCAB, dtype=jnp.int64 if jax.config.jax_enable_x64 else jnp.int32)
    lut = jax.random.normal(k2, (VOCAB, D_MODEL), dtype=jnp.float32)
    return {"x": x, "lut": lut}

def reference(x, lut):
    # Embeddings.forward: self.lut(x) * sqrt(d_model)
    emb = jnp.take(lut, x, axis=0)
    return emb * math.sqrt(D_MODEL)

if __name__ == "__main__":
    import jax
    _d = setup_inputs()
    print(jax.jit(kernel)(*tuple(_d.values())))

</pallas_src>

<mosaic_0001>
#map = affine_map<(d0, d1) -> (0, 0)>
module attributes {stable_mosaic.version = 14 : i64} {
  func.func @k(%arg0: i32, %arg1: i32, %arg2: memref<6400x128xi32, #tpu.memory_space<hbm>>, %arg3: memref<1000000x64xf32, #tpu.memory_space<hbm>>, %arg4: memref<819200x64xf32, #tpu.memory_space<hbm>>, %arg5: memref<200x128xi32, #tpu.memory_space<vmem>>, %arg6: memref<128x64xf32, #tpu.memory_space<vmem>>, %arg7: memref<!tpu.dma_semaphore, #tpu.memory_space<semaphore_mem>>) attributes {dimension_semantics = [#tpu.dimension_semantics<core_parallel>, #tpu.dimension_semantics<subcore_parallel>], iteration_bounds = array<i64: 2, 16>, scalar_prefetch = 0 : i64, scratch_operands = 3 : i64, tpu.core_type = #tpu.core_type<sc_vector_subcore>, window_params = [{transform_indices = #map}, {transform_indices = #map}, {transform_indices = #map}]} {
    %mul3A = arith.constant 2 : i32
    %mul3A_0 = arith.muli %arg1, %mul3A : i32
    %add3A = arith.addi %mul3A_0, %arg0 : i32
    %mul3A_1 = arith.constant 200 : i32
    %mul3A_2 = arith.muli %add3A, %mul3A_1 : i32
    "tpu.region"() ({
      %run_scoped3A = tpu.sem_alloc : memref<!tpu.dma_semaphore, #tpu.memory_space<semaphore_mem>>
      %dma_start3A = arith.constant 0 : i32
      %dma_start3A_9 = tpu.memref_slice %arg2[%mul3A_2, %dma_start3A] : memref<6400x128xi32, #tpu.memory_space<hbm>> -> memref<200x128xi32, #tpu.memory_space<hbm>>
      %dma_start3A_10 = arith.constant 0 : i32
      %dma_start3A_11 = tpu.memref_slice %arg2[%mul3A_2, %dma_start3A_10] : memref<6400x128xi32, #tpu.memory_space<hbm>> -> memref<200x128xi32, #tpu.memory_space<hbm>>
      tpu.enqueue_dma source(%dma_start3A_11 : memref<200x128xi32, #tpu.memory_space<hbm>>) target(%arg5 : memref<200x128xi32, #tpu.memory_space<vmem>>) target_semaphore(%run_scoped3A : memref<!tpu.dma_semaphore, #tpu.memory_space<semaphore_mem>>)
      %dma_wait3A = arith.constant 0 : i32
      %dma_wait3A_12 = tpu.memref_slice %arg2[%mul3A_2, %dma_wait3A] : memref<6400x128xi32, #tpu.memory_space<hbm>> -> memref<200x128xi32, #tpu.memory_space<hbm>>
      %dma_wait3A_13 = arith.constant 0 : i32
      %dma_wait3A_14 = tpu.memref_slice %arg2[%mul3A_2, %dma_wait3A_13] : memref<6400x128xi32, #tpu.memory_space<hbm>> -> memref<200x128xi32, #tpu.memory_space<hbm>>
      tpu.wait_dma2 semaphore(%run_scoped3A : memref<!tpu.dma_semaphore, #tpu.memory_space<semaphore_mem>>) src(%dma_wait3A_14 : memref<200x128xi32, #tpu.memory_space<hbm>>) dst(%arg5 : memref<200x128xi32, #tpu.memory_space<vmem>>)
      tpu.yield
    }) : () -> ()
    %scan3A = arith.constant 0 : i32
    %scan3A_3 = arith.constant 0 : i32
    %scan3A_4 = arith.constant 200 : i32
    %scan3A_5 = arith.addi %scan3A_3, %scan3A_4 : i32
    %scan3A_6 = arith.constant 1 : i32
    %scan3A_7 = scf.for %scan3A_9 = %scan3A_3 to %scan3A_5 step %scan3A_6 iter_args(%scan3A_10 = %scan3A) -> (i32)  : i32 {
      %dma_start3A = arith.constant 0 : i32
      %dma_start3A_11 = tpu.memref_slice %arg5[%scan3A_9, %dma_start3A] : memref<200x128xi32, #tpu.memory_space<vmem>> -> memref<1x128xi32, #tpu.memory_space<vmem>>
      %dma_start3A_12 = tpu.memref_squeeze %dma_start3A_11 : memref<1x128xi32, #tpu.memory_space<vmem>> -> memref<128xi32, #tpu.memory_space<vmem>>
      %dma_start3A_13 = arith.constant 0 : i32
      %dma_start3A_14 = arith.constant 0 : i32
      %dma_start3A_15 = tpu.memref_slice %arg3[%dma_start3A_13, %dma_start3A_14] : memref<1000000x64xf32, #tpu.memory_space<hbm>> -> memref<1000000x64xf32, #tpu.memory_space<hbm>>
      tpu.enqueue_indirect_dma source(%dma_start3A_15 : memref<1000000x64xf32, #tpu.memory_space<hbm>>) target(%arg6 : memref<128x64xf32, #tpu.memory_space<vmem>>) offsets(%dma_start3A_12 : memref<128xi32, #tpu.memory_space<vmem>>) semaphore(%arg7 : memref<!tpu.dma_semaphore, #tpu.memory_space<semaphore_mem>>)
      %dma_wait3A = arith.constant 0 : i32
      %dma_wait3A_16 = tpu.memref_slice %arg5[%scan3A_9, %dma_wait3A] : memref<200x128xi32, #tpu.memory_space<vmem>> -> memref<1x128xi32, #tpu.memory_space<vmem>>
      %dma_wait3A_17 = tpu.memref_squeeze %dma_wait3A_16 : memref<1x128xi32, #tpu.memory_space<vmem>> -> memref<128xi32, #tpu.memory_space<vmem>>
      %dma_wait3A_18 = arith.constant 0 : i32
      %dma_wait3A_19 = arith.constant 0 : i32
      %dma_wait3A_20 = tpu.memref_slice %arg3[%dma_wait3A_18, %dma_wait3A_19] : memref<1000000x64xf32, #tpu.memory_space<hbm>> -> memref<1000000x64xf32, #tpu.memory_space<hbm>>
      tpu.wait_indirect_dma semaphore(%arg7 : memref<!tpu.dma_semaphore, #tpu.memory_space<semaphore_mem>>) src(%dma_wait3A_20 : memref<1000000x64xf32, #tpu.memory_space<hbm>>) dst(%arg6 : memref<128x64xf32, #tpu.memory_space<vmem>>)
      %parallel_loop3A = arith.constant 0 : i32
      %parallel_loop3A_21 = arith.constant 128 : i32
      %parallel_loop3A_22 = arith.constant 1 : i32
      scf.for %parallel_loop3A_27 = %parallel_loop3A to %parallel_loop3A_21 step %parallel_loop3A_22  : i32 {
        %parallel_loop3A_28 = arith.index_cast %parallel_loop3A_27 : i32 to index
        %parallel_loop3A_29 = arith.constant 0 : index
        %parallel_loop3A_30 = tpu.vector_load %arg6[%parallel_loop3A_28, %parallel_loop3A_29] {strides = array<i32>} : memref<128x64xf32, #tpu.memory_space<vmem>>, vector<1x16xf32>,
        %parallel_loop3A_31 = vector.shape_cast %parallel_loop3A_30 : vector<1x16xf32> to vector<16xf32>
        %parallel_loop3A_32 = arith.constant 8.000000e+00 : f32
        %parallel_loop3A_33 = vector.broadcast %parallel_loop3A_32 : f32 to vector<16xf32>
        %parallel_loop3A_34 = arith.mulf %parallel_loop3A_31, %parallel_loop3A_33 : vector<16xf32>
        %parallel_loop3A_35 = arith.index_cast %parallel_loop3A_27 : i32 to index
        %parallel_loop3A_36 = arith.constant 0 : index
        %parallel_loop3A_37 = tpu.vector_load %arg6[%parallel_loop3A_35, %parallel_loop3A_36] {strides = array<i32>} : memref<128x64xf32, #tpu.memory_space<vmem>>, vector<1x16xf32>,
        %parallel_loop3A_38 = vector.shape_cast %parallel_loop3A_37 : vector<1x16xf32> to vector<16xf32>
        %parallel_loop3A_39 = vector.shape_cast %parallel_loop3A_34 : vector<16xf32> to vector<1x16xf32>
        tpu.vector_store %arg6[%parallel_loop3A_35, %parallel_loop3A_36], %parallel_loop3A_39 {strides = array<i32>} : memref<128x64xf32, #tpu.memory_space<vmem>>, vector<1x16xf32>,
        %parallel_loop3A_40 = arith.index_cast %parallel_loop3A_27 : i32 to index
        %parallel_loop3A_41 = arith.constant 16 : index
        %parallel_loop3A_42 = tpu.vector_load %arg6[%parallel_loop3A_40, %parallel_loop3A_41] {strides = array<i32>} : memref<128x64xf32, #tpu.memory_space<vmem>>, vector<1x16xf32>,
        %parallel_loop3A_43 = vector.shape_cast %parallel_loop3A_42 : vector<1x16xf32> to vector<16xf32>
        %parallel_loop3A_44 = arith.constant 8.000000e+00 : f32
        %parallel_loop3A_45 = vector.broadcast %parallel_loop3A_44 : f32 to vector<16xf32>
        %parallel_loop3A_46 = arith.mulf %parallel_loop3A_43, %parallel_loop3A_45 : vector<16xf32>
        %parallel_loop3A_47 = arith.index_cast %parallel_loop3A_27 : i32 to index
        %parallel_loop3A_48 = arith.constant 16 : index
        %parallel_loop3A_49 = tpu.vector_load %arg6[%parallel_loop3A_47, %parallel_loop3A_48] {strides = array<i32>} : memref<128x64xf32, #tpu.memory_space<vmem>>, vector<1x16xf32>,
        %parallel_loop3A_50 = vector.shape_cast %parallel_loop3A_49 : vector<1x16xf32> to vector<16xf32>
        %parallel_loop3A_51 = vector.shape_cast %parallel_loop3A_46 : vector<16xf32> to vector<1x16xf32>
        tpu.vector_store %arg6[%parallel_loop3A_47, %parallel_loop3A_48], %parallel_loop3A_51 {strides = array<i32>} : memref<128x64xf32, #tpu.memory_space<vmem>>, vector<1x16xf32>,
        %parallel_loop3A_52 = arith.index_cast %parallel_loop3A_27 : i32 to index
        %parallel_loop3A_53 = arith.constant 32 : index
        %parallel_loop3A_54 = tpu.vector_load %arg6[%parallel_loop3A_52, %parallel_loop3A_53] {strides = array<i32>} : memref<128x64xf32, #tpu.memory_space<vmem>>, vector<1x16xf32>,
        %parallel_loop3A_55 = vector.shape_cast %parallel_loop3A_54 : vector<1x16xf32> to vector<16xf32>
        %parallel_loop3A_56 = arith.constant 8.000000e+00 : f32
        %parallel_loop3A_57 = vector.broadcast %parallel_loop3A_56 : f32 to vector<16xf32>
        %parallel_loop3A_58 = arith.mulf %parallel_loop3A_55, %parallel_loop3A_57 : vector<16xf32>
        %parallel_loop3A_59 = arith.index_cast %parallel_loop3A_27 : i32 to index
        %parallel_loop3A_60 = arith.constant 32 : index
        %parallel_loop3A_61 = tpu.vector_load %arg6[%parallel_loop3A_59, %parallel_loop3A_60] {strides = array<i32>} : memref<128x64xf32, #tpu.memory_space<vmem>>, vector<1x16xf32>,
        %parallel_loop3A_62 = vector.shape_cast %parallel_loop3A_61 : vector<1x16xf32> to vector<16xf32>
        %parallel_loop3A_63 = vector.shape_cast %parallel_loop3A_58 : vector<16xf32> to vector<1x16xf32>
        tpu.vector_store %arg6[%parallel_loop3A_59, %parallel_loop3A_60], %parallel_loop3A_63 {strides = array<i32>} : memref<128x64xf32, #tpu.memory_space<vmem>>, vector<1x16xf32>,
        %parallel_loop3A_64 = arith.index_cast %parallel_loop3A_27 : i32 to index
        %parallel_loop3A_65 = arith.constant 48 : index
        %parallel_loop3A_66 = tpu.vector_load %arg6[%parallel_loop3A_64, %parallel_loop3A_65] {strides = array<i32>} : memref<128x64xf32, #tpu.memory_space<vmem>>, vector<1x16xf32>,
        %parallel_loop3A_67 = vector.shape_cast %parallel_loop3A_66 : vector<1x16xf32> to vector<16xf32>
        %parallel_loop3A_68 = arith.constant 8.000000e+00 : f32
        %parallel_loop3A_69 = vector.broadcast %parallel_loop3A_68 : f32 to vector<16xf32>
        %parallel_loop3A_70 = arith.mulf %parallel_loop3A_67, %parallel_loop3A_69 : vector<16xf32>
        %parallel_loop3A_71 = arith.index_cast %parallel_loop3A_27 : i32 to index
        %parallel_loop3A_72 = arith.constant 48 : index
        %parallel_loop3A_73 = tpu.vector_load %arg6[%parallel_loop3A_71, %parallel_loop3A_72] {strides = array<i32>} : memref<128x64xf32, #tpu.memory_space<vmem>>, vector<1x16xf32>,
        %parallel_loop3A_74 = vector.shape_cast %parallel_loop3A_73 : vector<1x16xf32> to vector<16xf32>
        %parallel_loop3A_75 = vector.shape_cast %parallel_loop3A_70 : vector<16xf32> to vector<1x16xf32>
        tpu.vector_store %arg6[%parallel_loop3A_71, %parallel_loop3A_72], %parallel_loop3A_75 {strides = array<i32>} : memref<128x64xf32, #tpu.memory_space<vmem>>, vector<1x16xf32>,
      } {sc.loop_unroll_factor = 4 : i64, sc.parallel_access}
      %add3A_23 = arith.addi %mul3A_2, %scan3A_9 : i32
      %mul3A_24 = arith.constant 128 : i32
      %mul3A_25 = arith.muli %add3A_23, %mul3A_24 : i32
      "tpu.region"() ({
        %run_scoped3A = tpu.sem_alloc : memref<!tpu.dma_semaphore, #tpu.memory_space<semaphore_mem>>
        %dma_start3A_27 = arith.constant 0 : i32
        %dma_start3A_28 = tpu.memref_slice %arg4[%mul3A_25, %dma_start3A_27] : memref<819200x64xf32, #tpu.memory_space<hbm>> -> memref<128x64xf32, #tpu.memory_space<hbm>>
        %dma_start3A_29 = arith.constant 0 : i32
        %dma_start3A_30 = tpu.memref_slice %arg4[%mul3A_25, %dma_start3A_29] : memref<819200x64xf32, #tpu.memory_space<hbm>> -> memref<128x64xf32, #tpu.memory_space<hbm>>
        tpu.enqueue_dma source(%arg6 : memref<128x64xf32, #tpu.memory_space<vmem>>) target(%dma_start3A_30 : memref<128x64xf32, #tpu.memory_space<hbm>>) target_semaphore(%run_scoped3A : memref<!tpu.dma_semaphore, #tpu.memory_space<semaphore_mem>>)
        %dma_wait3A_31 = arith.constant 0 : i32
        %dma_wait3A_32 = tpu.memref_slice %arg4[%mul3A_25, %dma_wait3A_31] : memref<819200x64xf32, #tpu.memory_space<hbm>> -> memref<128x64xf32, #tpu.memory_space<hbm>>
        %dma_wait3A_33 = arith.constant 0 : i32
        %dma_wait3A_34 = tpu.memref_slice %arg4[%mul3A_25, %dma_wait3A_33] : memref<819200x64xf32, #tpu.memory_space<hbm>> -> memref<128x64xf32, #tpu.memory_space<hbm>>
        tpu.wait_dma2 semaphore(%run_scoped3A : memref<!tpu.dma_semaphore, #tpu.memory_space<semaphore_mem>>) src(%arg6 : memref<128x64xf32, #tpu.memory_space<vmem>>) dst(%dma_wait3A_34 : memref<128x64xf32, #tpu.memory_space<hbm>>)
        tpu.yield
      }) : () -> ()
      %scan3A_26 = arith.constant 0 : i32
      scf.yield %scan3A_26 : i32
    }
    %scan3A_8 = arith.constant 200 : i32
    return
  }
}

</mosaic_0001>

<sc_bundles>
// kernel: _emb_lookup.3.cloned.1.call-start
scs
__scs_entry_jumppad:
0x0: {  	(pc) =	sbr.rel $0x88, $3  }
0x1: {  	(tag) =	ssettag $0x0;
	lr =	simm.s32 $0x1  }
0x2: {  	[smem:$0x3F9F] =	sst lr;
	_ =	strace $0xD0000000  }
0x3: {  	_ = 	snop  }
0x4: {  	_ = 	snop  }
0x5: {  	_ = 	snop  }
0x6: {  	_ = 	snop  }
0x7: {  	_ = 	snop  }
__scs_overlays_trampoline_lowered:
0x8: {  	[smem:$0x3FAE] =	sst s0  }
0x9: {  	[smem:$0x3FAF] =	sst s1  }
0xa: {  	[smem:$0x3FB0] =	sst s2  }
0xb: {  	[smem:$0x3FB1] =	sst s3  }
0xc: {  	[smem:$0x3FB2] =	sst s4  }
0xd: {  	[smem:$0x3FB3] =	sst s5  }
0xe: {  	[smem:$0x3FB4] =	sst s6  }
0xf: {  	[smem:$0x3FB5] =	sst s7  }
0x10: {  	[smem:$0x3FB6] =	sst s8  }
0x11: {  	[smem:$0x3FB7] =	sst s9;
	s0 =	simm.s32 @!p0 $0x0  }
0x12: {  	s1 =	sld [smem:$0x3F9D];
	s0 =	simm.s32 @p0 $0x1  }
0x13: {  	[smem:$0x3FB8] =	sst s0;
	s0 =	simm.s32 @!p1 $0x0  }
0x14: {  	s2 =	sld [smem:$0x3F9C];
	s0 =	simm.s32 @p1 $0x1  }
0x15: {  	[smem:$0x3FB9] =	sst s0;
	s0 =	simm.s32 @!p2 $0x0  }
0x16: {  	s3 =	sld [smem:$0x3FDB];
	s0 =	simm.s32 @p2 $0x1  }
0x17: {  	s4 =	simm.s32 $0x1BF5;
	[smem:$0x3FBB] =	sst s0  }
0x18: {  	s0 =	sld [smem:$0x3F9E];
	_ =	swait.ge [sflag:s4], $0x0  }
0x19: {  	s7 =	sld [smem:$0x3F9F]  }
0x1a: {  	s8 =	sadd.s32 $0xFFFFE003, lr  }
0x1b: {  	s9 =	sadd.s32 $0xFFFFFEF7, lr;
	s5 =	simm.s32 $0xFFFFFFFF;
	p2 =	slt.u32 s8, $0xFFFFF086  }
0x1c: {  	p1 =	slt.u32 s9, $0xF7A;
	s5 =	simm.s32 @!p2 $0x0  }
0x1d: {  	s5 =	simm.s32 @p1 $0x1;
	p0 =	seq.s32 s7, s2  }
0x1e: {  	s7 =	smul.u32 @!p0 $0xF7A, s2;
	p2 =	seq.s32 @!p0 s5, $0x0  }
0x1f: {  	s9 =	smul.u32 $0xF7A, s1;
	s8 =	simm.s32 @!p0 $0x1BF5;
	p2 =	por !p2, p0  }
0x20: {  	[sflag:s8] =	ssyncset.s32 @!p0 $0xFFFFF086;
	s6 =	sadd.s32 @!p0 s3, s7;
	s7 =	simm.s32 @!p0 $0x108  }
0x21: {  	s3 =	sadd.s32 s3, s9;
	s6 =	sadd.s32 @!p0 $0x88, s6;
	s7 =	simm.s32 @p2 $0x1082  }
0x22: {  	[simem:s7], [sflag:s8] =	dma.local @!p0 [hbm:s6], $0xF7A  }
0x23: {  	s9 =	sor.u32 $0xD0000000, s2;
	s6 =	simm.s32 $0x108;
	_ =	swait.ge @!p0 [sflag:s8], $0x0  }
0x24: {  	s3 =	sadd.s32 $0x88, s3;
	s6 =	simm.s32 @!p1 $0x1082;
	[sflag:s4] =	ssyncset.s32 $0xFFFFF086  }
0x25: {  	[simem:s6], [sflag:s4] =	dma.local [hbm:s3], $0xF7A  }
0x26: {  	[smem:$0x3F9F] =	sst s1;
	(tag) =	ssettag s2;
	_ =	strace s9  }
0x27: {  	s1 =	sld [smem:$0x3FAF]  }
0x28: {  	s2 =	sld [smem:$0x3FB0]  }
0x29: {  	s4 =	sld [smem:$0x3FB2]  }
0x2a: {  	p0 =	seq.s32 s5, $0x0;
	s5 =	sld [smem:$0x3FB3]  }
0x2b: {  	s6 =	sld [smem:$0x3FB4]  }
0x2c: {  	s7 =	sld [smem:$0x3FB5]  }
0x2d: {  	s3 =	simm.s32 $0x108;
	s8 =	sld [smem:$0x3FB6]  }
0x2e: {  	s3 =	simm.s32 @!p0 $0x1082;
	s9 =	sld [smem:$0x3FB7]  }
0x2f: {  	lr =	sadd.s32 s0, s3;
	s0 =	sld [smem:$0x3FAE]  }
0x30: {  	s3 =	sld [smem:$0x3FB1]  }
0x31: {  	[smem:$0x3FBA] =	sst s10  }
0x32: {  	s10 =	sld [smem:$0x3FB8];
	_ =	sdelay $0x3  }
0x33: {  	p0 =	seq.s32 s10, $0x1;
	s10 =	sld [smem:$0x3FBA];
	_ =	sdelay $0x3  }
0x34: {  	[smem:$0x3FBA] =	sst s10  }
0x35: {  	s10 =	sld [smem:$0x3FB9];
	_ =	sdelay $0x3  }
0x36: {  	p1 =	seq.s32 s10, $0x1;
	s10 =	sld [smem:$0x3FBA];
	_ =	sdelay $0x3  }
0x37: {  	[smem:$0x3FBA] =	sst s10  }
0x38: {  	s10 =	sld [smem:$0x3FBB]  }
0x39: {  	_ = 	snop;
	(pc) =	sbr.ind lr, $3  }
0x3a: {  	_ = 	snop  }
0x3b: {  	_ = 	snop  }
0x3c: {  	p2 =	seq.s32 s10, $0x1;
	s10 =	sld [smem:$0x3FBA]  }
0x3d: {  	_ =	shalt  }
0x3e: {  	_ =	shalt  }
0x3f: {  	_ =	shalt  }
0x40: {  	_ =	shalt  }
0x41: {  	_ =	shalt  }
0x42: {  	_ =	shalt  }
0x43: {  	_ =	shalt  }
0x44: {  	_ =	shalt  }
0x45: {  	_ =	shalt  }
0x46: {  	_ =	shalt  }
0x47: {  	_ =	shalt  }
0x48: {  	_ =	shalt  }
0x49: {  	_ =	shalt  }
0x4a: {  	_ =	shalt  }
0x4b: {  	_ =	shalt  }
0x4c: {  	_ =	shalt  }
0x4d: {  	_ =	shalt  }
0x4e: {  	_ =	shalt  }
0x4f: {  	_ =	shalt  }
0x50: {  	_ =	shalt  }
0x51: {  	_ =	shalt  }
0x52: {  	_ =	shalt  }
0x53: {  	_ =	shalt  }
0x54: {  	_ =	shalt  }
0x55: {  	_ =	shalt  }
0x56: {  	_ =	shalt  }
0x57: {  	_ =	shalt  }
0x58: {  	_ =	shalt  }
0x59: {  	_ =	shalt  }
0x5a: {  	_ =	shalt  }
0x5b: {  	_ =	shalt  }
0x5c: {  	_ =	shalt  }
0x5d: {  	_ =	shalt  }
0x5e: {  	_ =	shalt  }
0x5f: {  	_ =	shalt  }
0x60: {  	_ =	shalt  }
0x61: {  	_ =	shalt  }
0x62: {  	_ =	shalt  }
0x63: {  	_ =	shalt  }
0x64: {  	_ =	shalt  }
0x65: {  	_ =	shalt  }
0x66: {  	_ =	shalt  }
0x67: {  	_ =	shalt  }
0x68: {  	_ =	shalt  }
0x69: {  	_ =	shalt  }
0x6a: {  	_ =	shalt  }
0x6b: {  	_ =	shalt  }
0x6c: {  	_ =	shalt  }
0x6d: {  	_ =	shalt  }
0x6e: {  	_ =	shalt  }
0x6f: {  	_ =	shalt  }
0x70: {  	_ =	shalt  }
0x71: {  	_ =	shalt  }
0x72: {  	_ =	shalt  }
0x73: {  	_ =	shalt  }
0x74: {  	_ =	shalt  }
0x75: {  	_ =	shalt  }
0x76: {  	_ =	shalt  }
0x77: {  	_ =	shalt  }
0x78: {  	_ =	shalt  }
0x79: {  	_ =	shalt  }
0x7a: {  	_ =	shalt  }
0x7b: {  	_ =	shalt  }
0x7c: {  	_ =	shalt  }
0x7d: {  	_ =	shalt  }
0x7e: {  	_ =	shalt  }
0x7f: {  	_ =	shalt  }
0x80: {  	_ =	shalt  }
0x81: {  	_ =	shalt  }
0x82: {  	_ =	shalt  }
0x83: {  	_ =	shalt  }
0x84: {  	_ =	shalt  }
0x85: {  	_ =	shalt  }
0x86: {  	_ =	shalt  }
0x87: {  	_ =	shalt  }
.Lfunc_end0:
.L_simem_size_0:
called_computation.1_lowered:
.L_overlay_start_0:
0x88: {  	s2 =	sld [smem:$0x3FD9]  }
0x89: {  	s3 =	sld [smem:$0x3FFE];
	_ =	sdelay $0x1  }
0x8a: {  	s1 =	srdreg.scid  }
0x8b: {  	s0 =	sand.u32 $0x1, s1  }
0x8c: {  	s17 =	sshll.u32 s0, $0xA;
	s2 =	sadd.s32 s3, s2  }
0x8d: {  	s2 =	sadd.s32 s2, s17  }
0x8e: {  	[smem:$0x3FC6] =	sst s2  }
0x8f: {  	_ = 	snop  }
0x90: {  	s2 =	sld [smem:$0x3FC9]  }
0x91: {  	s18 =	sld [smem:$0x3FD0];
	(tm) =	ssettm $0x1  }
0x92: {  	s4 =	sld [smem:$0x3FFB];
	_ =	sdelay $0x3  }
0x93: {  	_ =	strace s4  }
0x94: {  	s4 =	sld [smem:$0x3FFC];
	_ =	sdelay $0x3  }
0x95: {  	_ =	strace s4  }
0x96: {  	s4 =	sld [smem:$0x3FFD];
	_ =	sdelay $0x3  }
0x97: {  	_ =	strace s4  }
0x98: {  	_ =	strace $0x8FFFFFFF  }
0x99: {  	s19 =	sld [smem:$0x3FDB];
	_ =	sdelay $0x1  }
0x9a: {  	s5 =	simm.s32 $_scs_section_size  }
0x9b: {  	s6 =	simm.s32 $_size__tile_overlayer_lowered;
	s7 =	simm.s32 $_tile_overlayer_lowered  }
0x9c: {  	s22 =	simm.s32 $0x1BFF;
	s21 =	sshll.u32 s7, $0x1;
	s4 =	sadd.s32 s5, s19  }
0x9d: {  	s8 =	simm.s32 $0x0;
	s20 =	sshll.u32 s6, $0x1;
	s6 =	sadd.s32 s21, s4  }
0x9e: {  	[timem:s8], [sflag:s22] =	dma.local [hbm:s6], s20  }
0x9f: {  	_ =	swait.ge [sflag:s22], s20  }
0xa0: {  	s5 =	ssub.s32 $0x0, s20;
	[sflag:s22] =	ssyncset.done $0x0  }
0xa1: {  	[sflag:s22] =	ssyncadd.s32 s5;
	_ =	sdelay $0x1  }
0xa2: {  	s23 =	simm.s32 $0x1B8B  }
0xa3: {  	_ =	swait.ge [sflag:s23], $0x1  }
0xa4: {  	[sflag:s23] =	ssyncset.done $0x0  }
0xa5: {  	s25 =	simm.s32 $0x1B8E;
	s24 =	sld [smem:$0x3FFE];
	[sflag:s23] =	ssyncadd.s32 $0xFFFFFFFF  }
0xa6: {  	s26 =	simm.s32 $execute0_lowered;
	[smem:$0x3FD2] =	sst s25  }
0xa7: {  	s6 =	sshll.u32 s26, $0x1;
	_ =	strace $0x80000046;
	[dreg:$0x1] =	wrdreg $0xFFFFFFFF  }
0xa8: {  	s28 =	simm.s32 $_size_execute0_lowered;
	s4 =	sadd.s32 s4, s6;
	[dreg:$0x0] =	wrdreg $0x0  }
0xa9: {  	s6 =	sshll.u32 s28, $0x1;
	[dreg:$0x2] =	wrdreg s4  }
0xaa: {  	[dreg:$0x3] =	wrdreg s6  }
0xab: {  	[dreg:$0x4] =	wrdreg $0xC0  }
0xac: {  	_ =	task [dreg:s8], $0x5FFFF  }
0xad: {  	[dreg:$0x1] =	wrdreg $0xFFFFFFFF  }
0xae: {  	[dreg:$0x0] =	wrdreg $0x60  }
0xaf: {  	[dreg:$0x2] =	wrdreg s2  }
0xb0: {  	[dreg:$0x3] =	wrdreg s24  }
0xb1: {  	[dreg:$0x4] =	wrdreg s18  }
0xb2: {  	[dreg:$0x5] =	wrdreg $0x9  }
0xb3: {  	_ =	task.clear_ibuf [dreg:s8], $0x6FFFF;
	_ =	strace $0x90000046  }
0xb4: {  	s29 =	simm.s32 $0x9;
	_ =	strace $0x80000048  }
0xb5: {  	_ =	swait.ge [sflag:s29], $0x1  }
0xb6: {  	[sflag:s29] =	ssyncadd.s32 $0xFFFFFFFF  }
0xb7: {  	_ =	strace $0x90000048  }
0xb8: {  	_ =	sfence  }
0xb9: {  	s30 =	sld [smem:$0x0];
	_ =	sdelay $0x2  }
0xba: {  	s31 =	sshll.u32 s1, $0xD;
	s1 =	sshrl.u32 s1, $0x2  }
0xbb: {  	s3 =	sand.u32 $0x4000, s31;
	s1 =	sadd.s32 s1, s30  }
0xbc: {  	s0 =	sor.u32 s3, s0;
	s1 =	sshll.u32 s1, $0x11  }
0xbd: {  	s0 =	sor.u32 s1, s0  }
0xbe: {  	s0 =	sadd.s32 $0x8F2B, s0  }
0xbf: {  	[sflag:s0] =	ssyncadd.remote.s32 $0x1  }
0xc0: {  	_ =	sfence.sel $0xFFFF  }
0xc1: {  	[dreg:$0x0] =	wrdreg $0xFFFFFFFF;
	(pc) =	sbr.abs _section_cstart, $3  }
0xc2: {  	[dreg:$0x1] =	wrdreg $0xFFFFFFFF  }
0xc3: {  	_ =	task.clear_ibuf [dreg:s8], $0x2FFFF;
	_ =	strace $0x9FFFFFFF  }
0xc4: {  	(tm) =	ssettm $0x7FFFFFFF  }
0xc5: {  	_ =	shalt  }
tec
execute0_lowered:
.L_overlay_start_1:
0x0: {  	(tag) =	ssettag $0x1  }
0x1: {  	s6 =	rddreg [dreg:$0x0]  }
0x2: {  	s4 =	rddreg [dreg:$0x1]  }
0x3: {  	s1 =	srdreg.scid;
	s0 =	stileid.u32  }
0x4: {  	s2 =	rddreg [dreg:$0x2];
	s3 =	simm.s32 $0x0;
	s10 =	simm.s32 $0x6400  }
0x5: {  	s11 =	simm.s32 $0x1;
	s5 =	sand.u32 $0x1, s1;
	s7 =	sshll.u32 s0, $0x1  }
0x6: {  	s12 =	simm.s32 $0x0;
	s1 =	rddreg [dreg:$0x3];
	s7 =	sor.u32 s5, s7  }
0x7: {  	[smem:$0x7FF] =	sst s3;
	s5 =	ssub.s32 $0x2, s5;
	s8 =	smul.u32 $0xC80, s7  }
0x8: {  	s4 =	sadd.s32 $0xF42C00, s4;
	_ =	strace $0x80000047;
	s9 =	sshrl.u32 s5, $0x1  }
0x9: {  	s9 =	ssub.s32 s5, s9;
	s5 =	smul.u32 $0xC8, s7;
	s6 =	sadd.s32 s6, s8  }
0xa: {  	s7 =	smax.u32 s9, $0x1;
	s8 =	simm.s32 $0x2;
	s9 =	simm.s32 $0x80  }
.LBB2_1:
0xb: {  	[tilespmem:s3], [sflag:$0x2] =	stream.linear.gather [hbm4b:s6+s3], $0x6400, $0x38;
	[tilespmem:$0x8400] =	vst v63  }
0xc: {  	_ =	swait.ge [sflag:s8], $0x6400  }
0xd: {  	[sflag:s8] =	ssyncset.done $0x0  }
0xe: {  	s13 =	simm.s32 $0x0;
	[sflag:s8] =	ssyncadd.s32 $0xFFFF9C00  }
.LBB2_2:
0xf: {  	s14 =	sshll.u32 s13, $0x7  }
0x10: {  	s14 =	sand.u32 $0x3FFFFF80, s14  }
0x11: {  	[tilespmem:s10], [sflag:$0x1] =	stream.indirect.gather [hbm4b:s4+s9], $0x40, s14, s9, $0xb8;
	[tilespmem:$0x8400] =	vst v63  }
0x12: {  	_ =	swait.ge [sflag:s11], $0x2000  }
0x13: {  	[sflag:s11] =	ssyncset.done $0x0  }
0x14: {  	s14 =	simm.s32 $0x6480;
	[sflag:s11] =	ssyncadd.s32 $0xFFFFE000  }
0x15: {  	v0 =	vld [tilespmem:s14+$0x70]  }
0x16: {  	v1 =	vld [tilespmem:s14+$0xFFFFFF90]  }
0x17: {  	v2 =	vld [tilespmem:s14+$0xFFFFFFA0]  }
0x18: {  	v3 =	vld [tilespmem:s14+$0xFFFFFFB0]  }
0x19: {  	v4 =	vld [tilespmem:s14+$0xFFFFFFC0]  }
0x1a: {  	v5 =	vld [tilespmem:s14+$0xFFFFFFD0];
	v0 =	vmul.f32 $8.000000000e+00, v0  }
0x1b: {  	v6 =	vld [tilespmem:s14+$0xFFFFFFE0];
	v1 =	vmul.f32 $8.000000000e+00, v1  }
0x1c: {  	v7 =	vld [tilespmem:s14+$0xFFFFFFF0];
	v2 =	vmul.f32 $8.000000000e+00, v2;
	[tilespmem:s14+$0x70] =	vst v0  }
0x1d: {  	[tilespmem:s14+$0xFFFFFF90] =	vst v1;
	v0 =	vmul.f32 $8.000000000e+00, v3;
	v3 =	vld [tilespmem:s14+$0x0]  }
0x1e: {  	[tilespmem:s14+$0xFFFFFFA0] =	vst v2;
	v1 =	vmul.f32 $8.000000000e+00, v4;
	v4 =	vld [tilespmem:s14+$0x10]  }
0x1f: {  	v8 =	vld [tilespmem:s14+$0x20];
	v2 =	vmul.f32 $8.000000000e+00, v5;
	[tilespmem:s14+$0xFFFFFFB0] =	vst v0  }
0x20: {  	v5 =	vmul.f32 $8.000000000e+00, v6;
	[tilespmem:s14+$0xFFFFFFC0] =	vst v1;
	v0 =	vld [tilespmem:s14+$0x30]  }
0x21: {  	v6 =	vmul.f32 $8.000000000e+00, v7;
	[tilespmem:s14+$0xFFFFFFD0] =	vst v2;
	v1 =	vld [tilespmem:s14+$0x40]  }
0x22: {  	[tilespmem:s14+$0xFFFFFFE0] =	vst v5;
	v2 =	vld [tilespmem:s14+$0x50];
	v7 =	vmul.f32 $8.000000000e+00, v3  }
0x23: {  	[tilespmem:s14+$0xFFFFFFF0] =	vst v6;
	v3 =	vld [tilespmem:s14+$0x60];
	v5 =	vmul.f32 $8.000000000e+00, v4  }
0x24: {  	s15 =	simm.s32 $0x0;
	s16 =	simm.s32 $0x6580;
	v6 =	vmul.f32 $8.000000000e+00, v8;
	v4 =	vld [tilespmem:s14+$0xFFFFFF80];
	[tilespmem:s14+$0x0] =	vst v7  }
.LBB2_3:
0x25: {  	v7 =	vld [tilespmem:s16+$0x70];
	s15 =	sadd.s32 $0x4, s15;
	[tilespmem:s14+$0x10] =	vst v5;
	v0 =	vmul.f32 $8.000000000e+00, v0  }
0x26: {  	v5 =	vld [tilespmem:s16+$0xFFFFFF90];
	p0 =	slt.u32 s15, $0x7C;
	[tilespmem:s14+$0x20] =	vst v6;
	v1 =	vmul.f32 $8.000000000e+00, v1  }
0x27: {  	v6 =	vld [tilespmem:s16+$0xFFFFFFA0];
	[tilespmem:s14+$0x30] =	vst v0;
	v0 =	vmul.f32 $8.000000000e+00, v2  }
0x28: {  	v2 =	vld [tilespmem:s16+$0xFFFFFFB0];
	[tilespmem:s14+$0x40] =	vst v1;
	v1 =	vmul.f32 $8.000000000e+00, v3  }
0x29: {  	v3 =	vld [tilespmem:s16+$0xFFFFFFC0];
	v4 =	vmul.f32 $8.000000000e+00, v4;
	[tilespmem:s14+$0x50] =	vst v0  }
0x2a: {  	v0 =	vld [tilespmem:s16+$0xFFFFFFD0];
	v7 =	vmul.f32 $8.000000000e+00, v7;
	[tilespmem:s14+$0x60] =	vst v1  }
0x2b: {  	v1 =	vmul.f32 $8.000000000e+00, v5;
	v5 =	vld [tilespmem:s16+$0xFFFFFFE0];
	[tilespmem:s14+$0xFFFFFF80] =	vst v4;
	s14 =	smov.u32 s16  }
0x2c: {  	v4 =	vmul.f32 $8.000000000e+00, v6;
	v6 =	vld [tilespmem:s16+$0xFFFFFFF0];
	[tilespmem:s16+$0x70] =	vst v7  }
0x2d: {  	[tilespmem:s16+$0xFFFFFF90] =	vst v1;
	v1 =	vmul.f32 $8.000000000e+00, v2;
	v2 =	vld [tilespmem:s16+$0x0]  }
0x2e: {  	[tilespmem:s16+$0xFFFFFFA0] =	vst v4;
	v3 =	vmul.f32 $8.000000000e+00, v3;
	v4 =	vld [tilespmem:s16+$0x10]  }
0x2f: {  	[tilespmem:s16+$0xFFFFFFB0] =	vst v1;
	v1 =	vmul.f32 $8.000000000e+00, v0;
	v7 =	vld [tilespmem:s16+$0x20]  }
.Ltmp0:
0x30: {  	[tilespmem:s16+$0xFFFFFFC0] =	vst v3;
	v3 =	vmul.f32 $8.000000000e+00, v5;
	v0 =	vld [tilespmem:s16+$0x30];
	(pc) =	sbr.rel @p0 .LBB2_3-.Ltmp0, $4  }
0x31: {  	[tilespmem:s16+$0xFFFFFFD0] =	vst v1;
	v5 =	vmul.f32 $8.000000000e+00, v6;
	v1 =	vld [tilespmem:s16+$0x40]  }
0x32: {  	[tilespmem:s16+$0xFFFFFFE0] =	vst v3;
	v6 =	vmul.f32 $8.000000000e+00, v2;
	v2 =	vld [tilespmem:s16+$0x50]  }
0x33: {  	[tilespmem:s16+$0xFFFFFFF0] =	vst v5;
	v5 =	vmul.f32 $8.000000000e+00, v4;
	v3 =	vld [tilespmem:s16+$0x60]  }
0x34: {  	s16 =	sadd.s32 $0x100, s16;
	v4 =	vld [tilespmem:s14+$0xFFFFFF80];
	[tilespmem:s14+$0x0] =	vst v6;
	v6 =	vmul.f32 $8.000000000e+00, v7  }
0x35: {  	[tilespmem:s14+$0x10] =	vst v5;
	v0 =	vmul.f32 $8.000000000e+00, v0  }
0x36: {  	[tilespmem:s14+$0x20] =	vst v6;
	v1 =	vmul.f32 $8.000000000e+00, v1  }
0x37: {  	[tilespmem:s14+$0x30] =	vst v0;
	v61 =	vmul.f32 $8.000000000e+00, v2  }
0x38: {  	[tilespmem:s14+$0x40] =	vst v1;
	v62 =	vmul.f32 $8.000000000e+00, v3  }
0x39: {  	s15 =	sadd.s32 s5, s13;
	s13 =	sadd.s32 $0x1, s13;
	v63 =	vmul.f32 $8.000000000e+00, v4;
	[tilespmem:s14+$0x50] =	vst v61  }
0x3a: {  	s15 =	sshll.u32 s15, $0xA;
	p0 =	sne.s32 s13, $0xC8;
	[tilespmem:s14+$0x60] =	vst v62  }
.Ltmp1:
0x3b: {  	s31 =	sadd.s32 s2, s15;
	[tilespmem:s14+$0xFFFFFF80] =	vst v63;
	(pc) =	sbr.rel @p0 .LBB2_2-.Ltmp1, $4  }
0x3c: {  	[hbm4b:s31+s3] =	stream.linear.scatter [tilespmem:s10], [sflag:$0x2], $0x2000, $0x38;
	[tilespmem:$0x8400] =	vst v63  }
0x3d: {  	_ =	swait.ge [sflag:s8], $0x2000  }
0x3e: {  	[sflag:s8] =	ssyncset.done $0x0  }
0x3f: {  	[sflag:s8] =	ssyncadd.s32 $0xFFFFE000  }
0x40: {  	s12 =	sadd.s32 $0x1, s12  }
0x41: {  	p0 =	sne.s32 s12, s7  }
.Ltmp2:
0x42: {  	_ = 	snop;
	(pc) =	sbr.rel @p0 .LBB2_1-.Ltmp2, $1  }
0x43: {  	_ =	sdelay $0x3  }
0x44: {  	_ =	sfence.sel $0x180000  }
0x45: {  	[bflag:$0x0] =	sbarrier.arrive $0xFFFF  }
0x46: {  	p0 =	sne.s32 s0, $0x0;
	_ =	strace $0x90000047  }
0x47: {  	s0 =	sadd.s32 @!p0 $0x100000, s1;
	[bflag:$0x2] =	sbarrier.arrive $0xFFFF  }
0x48: {  	[sflag:s0] =	ssyncadd.tile.s32 @!p0 $0x1;
	_ =	shalt  }
.Lfunc_end2:
_tile_overlayer_lowered:
.L_overlay_start_2:
0x49: {  	(tag) =	ssettag $0x2  }
0x4a: {  	s0 =	rddreg [dreg:$0x0];
	s2 =	stileid.u32  }
0x4b: {  	s1 =	rddreg [dreg:$0x1];
	p0 =	sne.s32 s2, $0x0  }
0x4c: {  	s3 =	rddreg [dreg:$0x2];
	[bflag:$0x3] =	sbarrier.arrive $0xFFFF;
	s2 =	simm.s32 @!p0 $0x1C02  }
0x4d: {  	[timem:s3], [sflag:s2] =	dma.local @!p0 [hbm:s0], s1  }
0x4e: {  	s0 =	simm.s32 @!p0 $0x2  }
0x4f: {  	_ =	swait.ge @!p0 [sflag:s0], s1  }
0x50: {  	s1 =	ssub.s32 @!p0 $0x0, s1;
	[sflag:s0] =	ssyncset.done @!p0 $0x0  }
0x51: {  	[sflag:s0] =	ssyncadd.s32 @!p0 s1  }
0x52: {  	[bflag:$0x3] =	sbarrier.arrive $0xFFFF  }
0x53: {  	_ =	shalt  }

// kernel: sparse-core-data-format-call.cloned.1.call-start
scs
called_computation_lowered:
.L_overlay_start_0:
0x0: {  	s2 =	sld [smem:$0x3FD9]  }
0x1: {  	s3 =	sld [smem:$0x3FFE];
	_ =	sdelay $0x1  }
0x2: {  	s1 =	srdreg.scid  }
0x3: {  	s0 =	sand.u32 $0x1, s1  }
0x4: {  	s18 =	sshll.u32 s0, $0xA;
	s2 =	sadd.s32 s3, s2  }
0x5: {  	s2 =	sadd.s32 s2, s18  }
0x6: {  	[smem:$0x3FC6] =	sst s2  }
0x7: {  	_ = 	snop  }
0x8: {  	s2 =	sld [smem:$0x3FD0];
	(tm) =	ssettm $0x1  }
0x9: {  	s19 =	sld [smem:$0x3FFB];
	_ =	sdelay $0x3  }
0xa: {  	_ =	strace s19  }
0xb: {  	s3 =	sld [smem:$0x3FFC];
	_ =	sdelay $0x3  }
0xc: {  	_ =	strace s3  }
0xd: {  	s3 =	sld [smem:$0x3FFD];
	_ =	sdelay $0x3  }
0xe: {  	_ =	strace s3  }
0xf: {  	_ =	strace $0x8FFFFFFF  }
0x10: {  	s20 =	sld [smem:$0x3FDB];
	_ =	sdelay $0x1  }
0x11: {  	s4 =	simm.s32 $_scs_section_size  }
0x12: {  	s5 =	simm.s32 $_size__tile_overlayer_lowered;
	s6 =	simm.s32 $_tile_overlayer_lowered  }
0x13: {  	s23 =	simm.s32 $0x1BFF;
	s22 =	sshll.u32 s6, $0x1;
	s3 =	sadd.s32 s4, s20  }
0x14: {  	s7 =	simm.s32 $0x0;
	s21 =	sshll.u32 s5, $0x1;
	s5 =	sadd.s32 s22, s3  }
0x15: {  	[timem:s7], [sflag:s23] =	dma.local [hbm:s5], s21  }
0x16: {  	_ =	swait.ge [sflag:s23], s21  }
0x17: {  	s4 =	ssub.s32 $0x0, s21;
	[sflag:s23] =	ssyncset.done $0x0  }
0x18: {  	[sflag:s23] =	ssyncadd.s32 s4;
	_ =	sdelay $0x1  }
0x19: {  	s24 =	simm.s32 $0x1B8B  }
0x1a: {  	_ =	swait.ge [sflag:s24], $0x1  }
0x1b: {  	[sflag:s24] =	ssyncset.done $0x0  }
0x1c: {  	s26 =	simm.s32 $0x1B8E;
	s25 =	sld [smem:$0x3FFE];
	[sflag:s24] =	ssyncadd.s32 $0xFFFFFFFF  }
0x1d: {  	s27 =	simm.s32 $execute0_lowered;
	[smem:$0x3FD2] =	sst s26  }
0x1e: {  	s5 =	sshll.u32 s27, $0x1;
	_ =	strace $0x80000049;
	[dreg:$0x1] =	wrdreg $0xFFFFFFFF  }
0x1f: {  	s28 =	simm.s32 $_size_execute0_lowered;
	s3 =	sadd.s32 s3, s5;
	[dreg:$0x0] =	wrdreg $0x0  }
0x20: {  	s5 =	sshll.u32 s28, $0x1;
	[dreg:$0x2] =	wrdreg s3  }
0x21: {  	[dreg:$0x3] =	wrdreg s5  }
0x22: {  	[dreg:$0x4] =	wrdreg $0xC0  }
0x23: {  	_ =	task [dreg:s7], $0x5FFFF  }
0x24: {  	[dreg:$0x1] =	wrdreg $0xFFFFFFFF  }
0x25: {  	[dreg:$0x0] =	wrdreg $0x60  }
0x26: {  	[dreg:$0x2] =	wrdreg s25  }
0x27: {  	[dreg:$0x3] =	wrdreg s2  }
0x28: {  	[dreg:$0x4] =	wrdreg $0x9  }
0x29: {  	_ =	task.clear_ibuf [dreg:s7], $0x5FFFF;
	_ =	strace $0x90000049  }
0x2a: {  	s29 =	simm.s32 $0x9;
	_ =	strace $0x8000004B  }
0x2b: {  	_ =	swait.ge [sflag:s29], $0x1  }
0x2c: {  	[sflag:s29] =	ssyncadd.s32 $0xFFFFFFFF  }
0x2d: {  	_ =	strace $0x9000004B  }
0x2e: {  	_ =	sfence  }
0x2f: {  	s30 =	sld [smem:$0x0];
	_ =	sdelay $0x2  }
0x30: {  	s31 =	sshll.u32 s1, $0xD;
	s1 =	sshrl.u32 s1, $0x2  }
0x31: {  	s3 =	sand.u32 $0x4000, s31;
	s1 =	sadd.s32 s1, s30  }
0x32: {  	s0 =	sor.u32 s3, s0;
	s1 =	sshll.u32 s1, $0x11  }
0x33: {  	s0 =	sor.u32 s1, s0  }
0x34: {  	s0 =	sadd.s32 $0x8F2B, s0  }
0x35: {  	[sflag:s0] =	ssyncadd.remote.s32 $0x1  }
0x36: {  	_ =	sfence.sel $0xFFFF  }
0x37: {  	[dreg:$0x0] =	wrdreg $0xFFFFFFFF;
	(pc) =	sbr.abs _section_cstart, $3  }
0x38: {  	[dreg:$0x1] =	wrdreg $0xFFFFFFFF  }
0x39: {  	_ =	task.clear_ibuf [dreg:s7], $0x2FFFF;
	_ =	strace $0x9FFFFFFF  }
0x3a: {  	(tm) =	ssettm $0x7FFFFFFF  }
0x3b: {  	_ =	shalt  }
tec
execute0_lowered:
.L_overlay_start_1:
0x0: {  	(tag) =	ssettag $0x1  }
0x1: {  	s0 =	srdreg.scid  }
0x2: {  	s1 =	sshll.u32 s0, $0x4  }
0x3: {  	s4 =	rddreg [dreg:$0x0];
	s0 =	stileid.u32;
	s1 =	sand.u32 $0x10, s1  }
0x4: {  	s2 =	rddreg [dreg:$0x1];
	s7 =	simm.s32 $0x1;
	s1 =	sor.u32 s0, s1  }
0x5: {  	s8 =	simm.s32 $0x2;
	s11 =	simm.s32 $0x0;
	s3 =	sshll.u32 s1, $0x7  }
0x6: {  	s10 =	simm.s32 $0x0;
	s4 =	sadd.s32 $0x800, s4;
	s6 =	ssub.s32 $0xC8000, s3  }
.Ltmp0:
0x7: {  	s1 =	rddreg [dreg:$0x2];
	s5 =	sand.u32 $0xF80, s6;
	(pc) =	sbr.rel .LBB1_1-.Ltmp0, $4  }
0x8: {  	_ =	strace $0x8000004A;
	s9 =	smov.u32 s3;
	p0 =	sne.s32 s5, $0x0  }
0x9: {  	s6 =	sshrl.u32 s6, $0xC;
	s5 =	simm.s32 $0x1;
	s7 =	simm.s32 @!p0 $0x0  }
0xa: {  	[sflag:s5] =	ssyncpa.u1 $0x0;
	p0 =	por $0x0, $0x0;
	s6 =	sadd.s32 s7, s6  }
0xb: {  	[sflag:s8] =	ssyncpa.u1 $0x0;
	s8 =	simm.s32 $0x640000;
	s7 =	sadd.s32 $0x1, s6  }
.LBB1_4:
0xc: {  	s14 =	sshll.u32 s11, $0x3  }
0xd: {  	s30 =	sand.u32 $0x7F, s11;
	s15 =	sand.u32 $0xFFFFFC00, s14  }
0xe: {  	s11 =	sor.u32 s30, s15  }
0xf: {  	s15 =	smulhi.u32 $0x51EB851F, s11  }
0x10: {  	s14 =	smulhi.u32 $0x51EB851F, s14  }
0x11: {  	s15 =	sshrl.u32 s15, $0x12  }
0x12: {  	s14 =	sshrl.u32 s14, $0x12;
	s15 =	smul.u32 $0xC8000, s15  }
0x13: {  	s14 =	sand.u32 $0x3F, s14  }
0x14: {  	s14 =	smul.u32 $0x19000, s14;
	s11 =	ssub.s32 s11, s15  }
0x15: {  	[tilespmem:s13+$0x810 ss:$0x81] =	vst.msk $0xffff, v2;
	s15 =	sand.u32 $0x7, s11  }
0x16: {  	[tilespmem:s13+$0x1020 ss:$0x81] =	vst.msk $0xffff, v0;
	s14 =	sadd.s32 s2, s14;
	s11 =	sshrl.u32 s11, $0x3;
	s15 =	sshll.u32 s15, $0x12  }
0x17: {  	[tilespmem:s13+$0x0 ss:$0x81] =	vst.msk $0xffff, v1;
	s11 =	sadd.s32 s11, s14;
	s31 =	sor.u32 $0x400, s15  }
0x18: {  	[hbm4b:s11+s31] =	stream.strided.scatter [tilespmem:s12], [sflag:$0x2], $0x2000, s8, s31, $0x20;
	[tilespmem:$0x8080] =	vst v63  }
.LBB1_5:
0x19: {  	s13 =	sadd.s32 $0x1000, s9  }
0x1a: {  	p2 =	sgt.s32 s13, $0xC7FFF  }
0x1b: {  	s13 =	smov.u32 @p2 s3;
	p2 =	sne.s32 s10, s7  }
.Ltmp1:
0x1c: {  	p1 =	slt.u32 s10, $0x2;
	(pc) =	sbr.rel @!p2 .LBB1_6-.Ltmp1, $4  }
0x1d: {  	s12 =	simm.s32 @!p1 $0x2  }
0x1e: {  	s14 =	sadd.s32 $0x1, s10;
	_ =	swait.ge @!p1 [sflag:s12], $0x2000  }
0x1f: {  	s11 =	smov.u32 s9;
	p0 =	por !p0, !p0;
	[sflag:s12] =	ssyncset.done @!p1 $0x0  }
0x20: {  	s10 =	smov.u32 s14;
	s9 =	smov.u32 s13;
	[sflag:s12] =	ssyncadd.s32 @!p1 $0xFFFFE000  }
.LBB1_1:
0x21: {  	p1 =	sge.u32 s10, s6  }
0x22: {  	s12 =	sand.u32 @!p1 $0x1FFFFFF, s9  }
0x23: {  	s13 =	smulhi.u32 @!p1 $0x147AE15, s12;
	_ =	sdelay $0x1  }
0x24: {  	s13 =	sshrl.u32 @!p1 s13, $0xC  }
0x25: {  	s13 =	smul.u32 @!p1 $0xC8000, s13;
	_ =	sdelay $0x1  }
0x26: {  	s31 =	sadd.s32 $0xFFFFFFFF, s10;
	s14 =	sxor.u32 @!p1 $0xFFFFFFFF, s10;
	s12 =	ssub.s32 @!p1 s12, s13  }
0x27: {  	s15 =	simm.s32 @!p1 $0x80;
	s14 =	sshll.u32 @!p1 s14, $0xD;
	s12 =	sshll.u32 @!p1 s12, $0x4  }
0x28: {  	s13 =	sand.u32 @!p1 $0x2000, s14;
	s14 =	simm.s32 @!p1 $0x40;
	s12 =	sadd.s32 @!p1 s4, s12  }
0x29: {  	[tilespmem:s13], [sflag:$0x1] =	stream.strided.gather @!p1 [hbm4b:s12+s14], $0x2000, s15, s14, $0x38;
	[tilespmem:$0x8080] =	vst v63  }
0x2a: {  	p1 =	sge.u32 s31, s6  }
.Ltmp2:
0x2b: {  	_ = 	snop;
	(pc) =	sbr.rel @p1 .LBB1_5-.Ltmp2, $1  }
0x2c: {  	_ =	sdelay $0x3  }
0x2d: {  	s12 =	simm.s32 $0x1  }
0x2e: {  	_ =	swait.ge [sflag:s5], $0x2000;
	s12 =	simm.s32 @!p0 $0x0  }
0x2f: {  	[sflag:s5] =	ssyncset.done $0x0;
	s13 =	sshll.u32 s12, $0xD  }
0x30: {  	[sflag:s5] =	ssyncadd.s32 $0xFFFFE000;
	s16 =	sor.u32 $0x20, s13  }
0x31: {  	s12 =	smul.u32 $0x8100, s12;
	v3 =	vld [tilespmem:s16+$0x10]  }
0x32: {  	s30 =	sand.u32 $0x1, s10;
	v2 =	vld [tilespmem:s16+$0xFFFFFFF0]  }
0x33: {  	s13 =	smul.u32 $0x8100, s30;
	s12 =	sshrl.u32 s12, $0x2;
	v0 =	vld [tilespmem:s16+$0x0]  }
0x34: {  	v1 =	vld [tilespmem:s16+$0xFFFFFFE0];
	s14 =	sor.u32 $0x4000, s12  }
0x35: {  	s31 =	sshrl.u32 s13, $0x2;
	s13 =	sadd.s32 $0x0, s14  }
0x36: {  	s15 =	simm.s32 $0x4;
	s16 =	sadd.s32 $0x40, s16;
	s12 =	sor.u32 $0x4000, s31;
	[tilespmem:s13+$0x1830 ss:$0x81] =	vst.msk $0xffff, v3  }
.LBB1_3:
0x37: {  	v3 =	vld [tilespmem:s16+$0x10];
	p1 =	sne.s32 s15, $0x1FC;
	[tilespmem:s13+$0x810 ss:$0x81] =	vst.msk $0xffff, v2;
	s17 =	smov.u32 s15;
	s15 =	sadd.s32 $0x4, s15  }
.Ltmp3:
0x38: {  	v2 =	vld [tilespmem:s16+$0xFFFFFFF0];
	[tilespmem:s13+$0x1020 ss:$0x81] =	vst.msk $0xffff, v0;
	(pc) =	sbr.rel @p1 .LBB1_3-.Ltmp3, $4  }
0x39: {  	v0 =	vld [tilespmem:s16+$0x0];
	[tilespmem:s13+$0x0 ss:$0x81] =	vst.msk $0xffff, v1  }
0x3a: {  	s13 =	sshra.s32 s17, $0x2;
	v1 =	vld [tilespmem:s16+$0xFFFFFFE0]  }
0x3b: {  	s13 =	sadd.s32 s13, s14  }
0x3c: {  	s16 =	sadd.s32 $0x40, s16;
	[tilespmem:s13+$0x1830 ss:$0x81] =	vst.msk $0xffff, v3  }
.Ltmp4:
0x3d: {  	_ = 	snop;
	(pc) =	sbr.rel .LBB1_4-.Ltmp4, $1  }
0x3e: {  	_ =	sdelay $0x3  }
.LBB1_6:
0x3f: {  	_ =	sfence.sel $0x180000  }
0x40: {  	s2 =	simm.s32 $0x1;
	[bflag:$0x0] =	sbarrier.arrive $0xFFFF  }
0x41: {  	s31 =	simm.s32 $0x2;
	[sflag:s2] =	ssyncpa.u1 $0x1  }
0x42: {  	[sflag:s31] =	ssyncpa.u1 $0x1  }
0x43: {  	p0 =	sne.s32 s0, $0x0;
	_ =	strace $0x9000004A  }
0x44: {  	s0 =	sadd.s32 @!p0 $0x100000, s1;
	[bflag:$0x2] =	sbarrier.arrive $0xFFFF  }
0x45: {  	[sflag:s0] =	ssyncadd.tile.s32 @!p0 $0x1;
	_ =	shalt  }
.Lfunc_end1:
_tile_overlayer_lowered:
.L_overlay_start_2:
0x46: {  	(tag) =	ssettag $0x2  }
0x47: {  	s0 =	rddreg [dreg:$0x0];
	s2 =	stileid.u32  }
0x48: {  	s1 =	rddreg [dreg:$0x1];
	p0 =	sne.s32 s2, $0x0  }
0x49: {  	s3 =	rddreg [dreg:$0x2];
	[bflag:$0x3] =	sbarrier.arrive $0xFFFF;
	s2 =	simm.s32 @!p0 $0x1C01  }
0x4a: {  	[timem:s3], [sflag:s2] =	dma.local @!p0 [hbm:s0], s1  }
0x4b: {  	s0 =	simm.s32 @!p0 $0x1  }
0x4c: {  	_ =	swait.ge @!p0 [sflag:s0], s1  }
0x4d: {  	s1 =	ssub.s32 @!p0 $0x0, s1;
	[sflag:s0] =	ssyncset.done @!p0 $0x0  }
0x4e: {  	[sflag:s0] =	ssyncadd.s32 @!p0 s1  }
0x4f: {  	[bflag:$0x3] =	sbarrier.arrive $0xFFFF  }
0x50: {  	_ =	shalt  }

</sc_bundles>
